<compile_context>
chip_gen: v7x
topology: tpu7x:2x2x1
jax: 0.10.2.dev20260603
libtpu: 0.0.44.dev20260713+nightly
codegen_flags: <defaults>
</compile_context>

<pallas_src>
import functools

import jax
import jax.numpy as jnp
from jax import lax
from jax.experimental import pallas as pl
from jax.experimental.pallas import tpu as pltpu
from jax.experimental.pallas import tpu_sc as plsc

_K = 8192
_D = 32
_EPS = 1e-5
_BETA = 0.2
_ROWS = 4096
_BLK = 128


def _conv2d(x, w, b):
    out = lax.conv_general_dilated(
        x, w, window_strides=(2, 2), padding=((1, 1), (1, 1)),
        dimension_numbers=('NCHW', 'OIHW', 'NCHW'))
    return out + b[None, :, None, None]


def _conv_transpose2d(x, w, b):
    w_f = jnp.flip(w, axis=(2, 3))
    w_t = jnp.transpose(w_f, (1, 0, 2, 3))
    out = lax.conv_general_dilated(
        x, w_t, window_strides=(1, 1), padding=((2, 2), (2, 2)),
        lhs_dilation=(2, 2), dimension_numbers=('NCHW', 'OIHW', 'NCHW'))
    return out + b[None, :, None, None]


def _batchnorm(x, g, b):
    m = jnp.mean(x, axis=(0, 2, 3), keepdims=True)
    v = jnp.var(x, axis=(0, 2, 3), keepdims=True)
    xn = (x - m) / jnp.sqrt(v + _EPS)
    return xn * g[None, :, None, None] + b[None, :, None, None]


_BLK = 256
_KC = 2048


def _vq_body(qb_ref, q2_ref, cbb_ref, e2_ref, idx_ref, msum_ref):
    i = pl.program_id(0)

    @pl.when(i == 0)
    def _():
        msum_ref[0, 0] = 0.0

    qb = qb_ref[...]
    q2 = q2_ref[0, 0, :][:, None]
    run_min = jnp.full((_BLK,), jnp.inf, jnp.float32)
    run_idx = jnp.zeros((_BLK,), jnp.int32)
    for k in range(_K // _KC):
        cb_c = cbb_ref[k * _KC:(k + 1) * _KC, :]
        cross = lax.dot_general(
            qb, cb_c, dimension_numbers=(((1,), (1,)), ((), ())),
            precision=lax.Precision.DEFAULT,
            preferred_element_type=jnp.float32)
        scores = (q2 + e2_ref[:, k * _KC:(k + 1) * _KC]) - 2.0 * cross
        m_c = jnp.min(scores, axis=1)
        kio = lax.broadcasted_iota(jnp.int32, scores.shape, 1) + k * _KC
        idx_c = jnp.min(jnp.where(scores == m_c[:, None], kio, _K), axis=1)
        upd = m_c < run_min
        run_idx = jnp.where(upd, idx_c, run_idx)
        run_min = jnp.minimum(run_min, m_c)
    idx_ref[0, 0, :] = run_idx
    msum_ref[0, 0] += jnp.sum(jnp.maximum(run_min, 0.0))


def _vq_argmin(qb, q2, cbb, e2):
    nblk = _ROWS // _BLK
    idx3, msum = pl.pallas_call(
        _vq_body,
        grid=(nblk,),
        in_specs=[
            pl.BlockSpec((_BLK, _D), lambda i: (i, 0)),
            pl.BlockSpec((1, 1, _BLK), lambda i: (i, 0, 0)),
            pl.BlockSpec((_K, _D), lambda i: (0, 0)),
            pl.BlockSpec((1, _K), lambda i: (0, 0)),
        ],
        out_specs=[
            pl.BlockSpec((1, 1, _BLK), lambda i: (i, 0, 0)),
            pl.BlockSpec(memory_space=pltpu.SMEM),
        ],
        out_shape=[
            jax.ShapeDtypeStruct((nblk, 1, _BLK), jnp.int32),
            jax.ShapeDtypeStruct((1, 1), jnp.float32),
        ],
    )(qb, q2, cbb, e2)
    return idx3.reshape(_ROWS), msum[0, 0]


@functools.lru_cache(maxsize=1)
def _make_sc_gather():
    info = plsc.get_sparse_core_info()
    nw = info.num_cores * info.num_subcores
    b_per_w = _ROWS // nw
    mesh = plsc.VectorSubcoreMesh(core_axis_name="c", subcore_axis_name="s")

    @functools.partial(
        pl.kernel, mesh=mesh,
        out_type=jax.ShapeDtypeStruct((_ROWS, _D), jnp.float32),
        scratch_types=[
            pltpu.VMEM((b_per_w,), jnp.int32),
            pltpu.VMEM((b_per_w, _D), jnp.float32),
            pltpu.SemaphoreType.DMA,
        ],
        compiler_params=pltpu.CompilerParams(use_tc_tiling_on_sc=False),
    )
    def gather(table_hbm, idx_hbm, out_hbm, idx_v, rows_v, sem):
        wid = lax.axis_index("s") * info.num_cores + lax.axis_index("c")
        base = wid * b_per_w
        pltpu.sync_copy(idx_hbm.at[pl.ds(base, b_per_w)], idx_v)
        pltpu.async_copy(table_hbm.at[idx_v], rows_v, sem).wait()
        pltpu.sync_copy(rows_v, out_hbm.at[pl.ds(base, b_per_w)])

    return gather


def _gather_rows(table, idx):
    return _make_sc_gather()(table, idx)


def kernel(x, ew1, eb1, eg1, ebt1, ew2, eb2, eg2, ebt2, ew3, eb3, eg3, ebt3,
           codebook, dw1, db1, dg1, dbt1, dw2, db2, dg2, dbt2, dw3, db3, dg3, dbt3):
    h = jax.nn.relu(_batchnorm(_conv2d(x, ew1, eb1), eg1, ebt1))
    h = jax.nn.relu(_batchnorm(_conv2d(h, ew2, eb2), eg2, ebt2))
    quant_input = jax.nn.relu(_batchnorm(_conv2d(h, ew3, eb3), eg3, ebt3))
    B, C, H, W = quant_input.shape
    q3 = jnp.transpose(quant_input, (0, 2, 3, 1)).reshape(B, H * W, C)
    q2 = jnp.sum(q3 * q3, axis=-1, keepdims=True)
    e2 = jnp.sum(codebook * codebook, axis=-1)
    q = q3.reshape(B * H * W, C)

    nblk = _ROWS // _BLK
    idx, msum = _vq_argmin(
        q, q2.reshape(nblk, 1, _BLK), codebook, e2[None, :])

    rows = _gather_rows(codebook, idx)

    mse = msum / (B * H * W * C)
    qloss = (1.0 + _BETA) * mse

    quant_nchw = jnp.transpose(rows.reshape(B, H, W, C), (0, 3, 1, 2))
    d = jax.nn.relu(_batchnorm(_conv_transpose2d(quant_nchw, dw1, db1), dg1, dbt1))
    d = jax.nn.relu(_batchnorm(_conv_transpose2d(d, dw2, db2), dg2, dbt2))
    output = _batchnorm(_conv_transpose2d(d, dw3, db3), dg3, dbt3)

    reconstruction_loss = jnp.mean((x - output) ** 2)
    total_loss = qloss + reconstruction_loss
    enc_idx = idx.reshape(B, H, W)
    return (output, total_loss, enc_idx)

# --- scband reference (transcript-rebuilt; emitter-appended) ---
"""Pipeline reference for scband-vqvae-54949811585513 (READ-ONLY COPY).

The authoritative reference and input builder live on the scoring server;
editing this copy changes nothing except your own understanding.
"""

import jax, jax.numpy as jnp
import numpy as np
from jax import lax

K = 8192
D = 32
EPS = 1e-5
BETA = 0.2

def conv2d(x, w, b):
    out = lax.conv_general_dilated(x, w, window_strides=(2, 2), padding=((1, 1), (1, 1)), dimension_numbers=('NCHW', 'OIHW', 'NCHW'))
    return out + b[None, :, None, None]

def conv_transpose2d(x, w, b):
    # w: torch ConvTranspose2d layout [in_ch, out_ch, kh, kw]; k=4, stride=2, padding=1
    w_f = jnp.flip(w, axis=(2, 3))
    w_t = jnp.transpose(w_f, (1, 0, 2, 3))
    out = lax.conv_general_dilated(x, w_t, window_strides=(1, 1), padding=((2, 2), (2, 2)), lhs_dilation=(2, 2), dimension_numbers=('NCHW', 'OIHW', 'NCHW'))
    return out + b[None, :, None, None]

def batchnorm(x, g, b):
    m = jnp.mean(x, axis=(0, 2, 3), keepdims=True)
    v = jnp.var(x, axis=(0, 2, 3), keepdims=True)
    xn = (x - m) / jnp.sqrt(v + EPS)
    return xn * g[None, :, None, None] + b[None, :, None, None]

def setup_inputs(seed: int = 0):
    key = jax.random.key(seed)
    ks = jax.random.split(key, 12)
    def w(k, shape, scale):
        return jax.random.normal(k, shape, dtype=jnp.float32) * scale
    inp = {}
    inp['x'] = jax.random.normal(ks[0], (4, 1, 256, 256), dtype=jnp.float32)
    inp['ew1'] = w(ks[1], (16, 1, 4, 4), 0.25)
    inp['eb1'] = jnp.zeros((16,), jnp.float32)
    inp['eg1'] = jnp.ones((16,), jnp.float32)
    inp['ebt1'] = jnp.zeros((16,), jnp.float32)
    inp['ew2'] = w(ks[2], (16, 16, 4, 4), 0.09)
    inp['eb2'] = jnp.zeros((16,), jnp.float32)
    inp['eg2'] = jnp.ones((16,), jnp.float32)
    inp['ebt2'] = jnp.zeros((16,), jnp.float32)
    inp['ew3'] = w(ks[3], (32, 16, 4, 4), 0.09)
    inp['eb3'] = jnp.zeros((32,), jnp.float32)
    inp['eg3'] = jnp.ones((32,), jnp.float32)
    inp['ebt3'] = jnp.zeros((32,), jnp.float32)
    inp['codebook'] = jax.random.normal(ks[4], (K, D), dtype=jnp.float32)
    inp['dw1'] = w(ks[5], (32, 16, 4, 4), 0.07)
    inp['db1'] = jnp.zeros((16,), jnp.float32)
    inp['dg1'] = jnp.ones((16,), jnp.float32)
    inp['dbt1'] = jnp.zeros((16,), jnp.float32)
    inp['dw2'] = w(ks[6], (16, 16, 4, 4), 0.09)
    inp['db2'] = jnp.zeros((16,), jnp.float32)
    inp['dg2'] = jnp.ones((16,), jnp.float32)
    inp['dbt2'] = jnp.zeros((16,), jnp.float32)
    inp['dw3'] = w(ks[7], (16, 1, 4, 4), 0.09)
    inp['db3'] = jnp.zeros((1,), jnp.float32)
    inp['dg3'] = jnp.ones((1,), jnp.float32)
    inp['dbt3'] = jnp.zeros((1,), jnp.float32)
    return inp

def reference(x, ew1, eb1, eg1, ebt1, ew2, eb2, eg2, ebt2, ew3, eb3, eg3, ebt3, codebook, dw1, db1, dg1, dbt1, dw2, db2, dg2, dbt2, dw3, db3, dg3, dbt3):
    # Encoder
    h = jax.nn.relu(batchnorm(conv2d(x, ew1, eb1), eg1, ebt1))
    h = jax.nn.relu(batchnorm(conv2d(h, ew2, eb2), eg2, ebt2))
    quant_input = jax.nn.relu(batchnorm(conv2d(h, ew3, eb3), eg3, ebt3))
    B, C, H, W = quant_input.shape
    # Quantiser: cdist (euclidean) + argmin over codebook
    q = jnp.transpose(quant_input, (0, 2, 3, 1)).reshape(B, H * W, C)
    q2 = jnp.sum(q * q, axis=-1, keepdims=True)
    e2 = jnp.sum(codebook * codebook, axis=-1)
    cross = jnp.einsum('btd,kd->btk', q, codebook)
    dist = jnp.sqrt(jnp.clip(q2 + e2[None, None, :] - 2.0 * cross, 0.0, None))
    idx = jnp.argmin(dist, axis=-1)
    # output_from_indices: gather, reshape to quant_input.shape (NCHW; valid since C==H==W==32), permute(0,3,1,2)
    quant_out = jnp.take(codebook, idx.reshape(-1), axis=0).reshape(B, C, H, W)
    quant_out = jnp.transpose(quant_out, (0, 3, 1, 2))
    commitment_loss = jnp.mean((lax.stop_gradient(quant_out) - quant_input) ** 2)
    codebook_loss = jnp.mean((quant_out - lax.stop_gradient(quant_input)) ** 2)
    qloss = codebook_loss + BETA * commitment_loss
    quant_out = quant_input + lax.stop_gradient(quant_out - quant_input)
    enc_idx = idx.reshape(-1, quant_out.shape[-2], quant_out.shape[-1])
    # Decoder
    d = jax.nn.relu(batchnorm(conv_transpose2d(quant_out, dw1, db1), dg1, dbt1))
    d = jax.nn.relu(batchnorm(conv_transpose2d(d, dw2, db2), dg2, dbt2))
    output = batchnorm(conv_transpose2d(d, dw3, db3), dg3, dbt3)
    reconstruction_loss = jnp.mean((x - output) ** 2)
    total_loss = qloss + reconstruction_loss
    return (output, total_loss, enc_idx)

if __name__ == "__main__":
    import jax
    _d = setup_inputs()
    print(jax.jit(kernel)(*tuple(_d.values())))

</pallas_src>

<mosaic_0001>
#map = affine_map<(d0, d1) -> (0, 0)>
#map1 = affine_map<(d0, d1) -> (0)>
module attributes {stable_mosaic.version = 14 : i64} {
  func.func @gather(%arg0: i32, %arg1: i32, %arg2: memref<8192x32xf32, #tpu.memory_space<hbm>>, %arg3: memref<4096xi32, #tpu.memory_space<hbm>>, %arg4: memref<4096x32xf32, #tpu.memory_space<hbm>>, %arg5: memref<128xi32, #tpu.memory_space<vmem>>, %arg6: memref<128x32xf32, #tpu.memory_space<vmem>>, %arg7: memref<!tpu.dma_semaphore, #tpu.memory_space<semaphore_mem>>) attributes {dimension_semantics = [#tpu.dimension_semantics<core_parallel>, #tpu.dimension_semantics<subcore_parallel>], iteration_bounds = array<i64: 2, 16>, scalar_prefetch = 0 : i64, scratch_operands = 3 : i64, tpu.core_type = #tpu.core_type<sc_vector_subcore>, window_params = [{transform_indices = #map}, {transform_indices = #map1}, {transform_indices = #map}]} {
    %mul3A = arith.constant 2 : i32
    %mul3A_0 = arith.muli %arg1, %mul3A : i32
    %add3A = arith.addi %mul3A_0, %arg0 : i32
    %mul3A_1 = arith.constant 128 : i32
    %mul3A_2 = arith.muli %add3A, %mul3A_1 : i32
    "tpu.region"() ({
      %run_scoped3A = tpu.sem_alloc : memref<!tpu.dma_semaphore, #tpu.memory_space<semaphore_mem>>
      %dma_start3A_7 = tpu.memref_slice %arg3[%mul3A_2] : memref<4096xi32, #tpu.memory_space<hbm>> -> memref<128xi32, #tpu.memory_space<hbm>>
      %dma_start3A_8 = tpu.memref_slice %arg3[%mul3A_2] : memref<4096xi32, #tpu.memory_space<hbm>> -> memref<128xi32, #tpu.memory_space<hbm>>
      tpu.enqueue_dma source(%dma_start3A_8 : memref<128xi32, #tpu.memory_space<hbm>>) target(%arg5 : memref<128xi32, #tpu.memory_space<vmem>>) target_semaphore(%run_scoped3A : memref<!tpu.dma_semaphore, #tpu.memory_space<semaphore_mem>>)
      %dma_wait3A_9 = tpu.memref_slice %arg3[%mul3A_2] : memref<4096xi32, #tpu.memory_space<hbm>> -> memref<128xi32, #tpu.memory_space<hbm>>
      %dma_wait3A_10 = tpu.memref_slice %arg3[%mul3A_2] : memref<4096xi32, #tpu.memory_space<hbm>> -> memref<128xi32, #tpu.memory_space<hbm>>
      tpu.wait_dma2 semaphore(%run_scoped3A : memref<!tpu.dma_semaphore, #tpu.memory_space<semaphore_mem>>) src(%dma_wait3A_10 : memref<128xi32, #tpu.memory_space<hbm>>) dst(%arg5 : memref<128xi32, #tpu.memory_space<vmem>>)
      tpu.yield
    }) : () -> ()
    %dma_start3A = arith.constant 0 : i32
    %dma_start3A_3 = arith.constant 0 : i32
    %dma_start3A_4 = tpu.memref_slice %arg2[%dma_start3A, %dma_start3A_3] : memref<8192x32xf32, #tpu.memory_space<hbm>> -> memref<8192x32xf32, #tpu.memory_space<hbm>>
    tpu.enqueue_indirect_dma source(%dma_start3A_4 : memref<8192x32xf32, #tpu.memory_space<hbm>>) target(%arg6 : memref<128x32xf32, #tpu.memory_space<vmem>>) offsets(%arg5 : memref<128xi32, #tpu.memory_space<vmem>>) semaphore(%arg7 : memref<!tpu.dma_semaphore, #tpu.memory_space<semaphore_mem>>)
    %dma_wait3A = arith.constant 0 : i32
    %dma_wait3A_5 = arith.constant 0 : i32
    %dma_wait3A_6 = tpu.memref_slice %arg2[%dma_wait3A, %dma_wait3A_5] : memref<8192x32xf32, #tpu.memory_space<hbm>> -> memref<8192x32xf32, #tpu.memory_space<hbm>>
    tpu.wait_indirect_dma semaphore(%arg7 : memref<!tpu.dma_semaphore, #tpu.memory_space<semaphore_mem>>) src(%dma_wait3A_6 : memref<8192x32xf32, #tpu.memory_space<hbm>>) dst(%arg6 : memref<128x32xf32, #tpu.memory_space<vmem>>)
    "tpu.region"() ({
      %run_scoped3A = tpu.sem_alloc : memref<!tpu.dma_semaphore, #tpu.memory_space<semaphore_mem>>
      %dma_start3A_7 = arith.constant 0 : i32
      %dma_start3A_8 = tpu.memref_slice %arg4[%mul3A_2, %dma_start3A_7] : memref<4096x32xf32, #tpu.memory_space<hbm>> -> memref<128x32xf32, #tpu.memory_space<hbm>>
      %dma_start3A_9 = arith.constant 0 : i32
      %dma_start3A_10 = tpu.memref_slice %arg4[%mul3A_2, %dma_start3A_9] : memref<4096x32xf32, #tpu.memory_space<hbm>> -> memref<128x32xf32, #tpu.memory_space<hbm>>
      tpu.enqueue_dma source(%arg6 : memref<128x32xf32, #tpu.memory_space<vmem>>) target(%dma_start3A_10 : memref<128x32xf32, #tpu.memory_space<hbm>>) target_semaphore(%run_scoped3A : memref<!tpu.dma_semaphore, #tpu.memory_space<semaphore_mem>>)
      %dma_wait3A_11 = arith.constant 0 : i32
      %dma_wait3A_12 = tpu.memref_slice %arg4[%mul3A_2, %dma_wait3A_11] : memref<4096x32xf32, #tpu.memory_space<hbm>> -> memref<128x32xf32, #tpu.memory_space<hbm>>
      %dma_wait3A_13 = arith.constant 0 : i32
      %dma_wait3A_14 = tpu.memref_slice %arg4[%mul3A_2, %dma_wait3A_13] : memref<4096x32xf32, #tpu.memory_space<hbm>> -> memref<128x32xf32, #tpu.memory_space<hbm>>
      tpu.wait_dma2 semaphore(%run_scoped3A : memref<!tpu.dma_semaphore, #tpu.memory_space<semaphore_mem>>) src(%arg6 : memref<128x32xf32, #tpu.memory_space<vmem>>) dst(%dma_wait3A_14 : memref<128x32xf32, #tpu.memory_space<hbm>>)
      tpu.yield
    }) : () -> ()
    return
  }
}

module attributes {stable_mosaic.version = 14 : i64} {
  func.func @_vq_body(%arg0: i32, %arg1: memref<256x32xf32, #tpu.memory_space<vmem>>, %arg2: memref<1x1x256xf32, #tpu.memory_space<vmem>>, %arg3: memref<8192x32xf32, #tpu.memory_space<vmem>>, %arg4: memref<1x8192xf32, #tpu.memory_space<vmem>>, %arg5: memref<1x1x256xi32, #tpu.memory_space<vmem>>, %arg6: memref<1x1xf32, #tpu.memory_space<smem>>) attributes {dimension_semantics = [#tpu.dimension_semantics<arbitrary>], iteration_bounds = array<i64: 16>, scalar_prefetch = 0 : i64, scratch_operands = 0 : i64, tpu.core_type = #tpu.core_type<tc>, window_params = [{transform_indices = @transform_0, window_bounds = array<i64: 256, 32>}, {transform_indices = @transform_1, window_bounds = array<i64: 1, 1, 256>}, {pipeline_mode = #tpu.pipeline_mode<synchronous>, transform_indices = @transform_2, window_bounds = array<i64: 8192, 32>}, {pipeline_mode = #tpu.pipeline_mode<synchronous>, transform_indices = @transform_3, window_bounds = array<i64: 1, 8192>}, {transform_indices = @transform_4, window_bounds = array<i64: 1, 1, 256>}, {transform_indices = @transform_5, window_bounds = array<i64: 1, 1>}]} {
    %eq3A = arith.constant 0 : i32
    %eq3A_0 = arith.cmpi eq, %arg0, %eq3A : i32
    %convert_element_type3A = arith.extui %eq3A_0 : i1 to i32
    %cond3A = arith.constant 0 : i32
    %cond3A_1 = arith.cmpi ne, %convert_element_type3A, %cond3A : i32
    scf.if %cond3A_1 {
      %swap3A_149 = arith.constant 0.000000e+00 : f32
      %swap3A_150 = arith.constant 0 : index
      %swap3A_151 = arith.constant 0 : index
      %swap3A_152 = memref.load %arg6[%swap3A_150, %swap3A_151] : memref<1x1xf32, #tpu.memory_space<smem>>
      memref.store %swap3A_149, %arg6[%swap3A_150, %swap3A_151] : memref<1x1xf32, #tpu.memory_space<smem>>
    } else {
    }
    %get3A = arith.constant 0 : index
    %get3A_2 = arith.constant 0 : index
    %get3A_3 = vector.load %arg1[%get3A, %get3A_2] : memref<256x32xf32, #tpu.memory_space<vmem>>, vector<256x32xf32>
    %get3A_4 = arith.constant 0 : index
    %get3A_5 = arith.constant 0 : index
    %get3A_6 = arith.constant 0 : index
    %get3A_7 = vector.load %arg2[%get3A_4, %get3A_5, %get3A_6] : memref<1x1x256xf32, #tpu.memory_space<vmem>>, vector<1x1x256xf32>
    %get3A_8 = vector.shape_cast %get3A_7 : vector<1x1x256xf32> to vector<256xf32>
    %broadcast_in_dim3A = vector.shape_cast %get3A_8 : vector<256xf32> to vector<256x1xf32>
    %broadcast_in_dim3A_9 = arith.constant 0x7F800000 : f32
    %broadcast_in_dim3A_10 = vector.broadcast %broadcast_in_dim3A_9 : f32 to vector<256xf32>
    %broadcast_in_dim3A_11 = arith.constant 0 : i32
    %broadcast_in_dim3A_12 = vector.broadcast %broadcast_in_dim3A_11 : i32 to vector<256xi32>
    %get3A_13 = arith.constant 0 : index
    %get3A_14 = arith.constant 0 : index
    %get3A_15 = vector.load %arg3[%get3A_13, %get3A_14] : memref<8192x32xf32, #tpu.memory_space<vmem>>, vector<2048x32xf32>
    %dot_general3A = arith.constant dense<0.000000e+00> : vector<256x2048xf32>
    %dot_general3A_16 = tpu.matmul %get3A_3, %get3A_15, %dot_general3A {dimension_numbers = #tpu.dot_dimension_numbers<[1], [1], [0], [0], [0, 0, 1, 0], [], []>, transpose_lhs_hint = false} : vector<256x32xf32>, vector<2048x32xf32>, vector<256x2048xf32> -> vector<256x2048xf32>
    %get3A_17 = arith.constant 0 : index
    %get3A_18 = arith.constant 0 : index
    %get3A_19 = vector.load %arg4[%get3A_17, %get3A_18] : memref<1x8192xf32, #tpu.memory_space<vmem>>, vector<1x2048xf32>
    %add3A = vector.broadcast %broadcast_in_dim3A : vector<256x1xf32> to vector<256x2048xf32>
    %add3A_20 = vector.broadcast %get3A_19 : vector<1x2048xf32> to vector<256x2048xf32>
    %add3A_21 = arith.addf %add3A, %add3A_20 : vector<256x2048xf32>
    %mul3A = arith.constant 2.000000e+00 : f32
    %mul3A_22 = vector.broadcast %mul3A : f32 to vector<256x2048xf32>
    %mul3A_23 = arith.mulf %mul3A_22, %dot_general3A_16 : vector<256x2048xf32>
    %sub3A = arith.subf %add3A_21, %mul3A_23 : vector<256x2048xf32>
    %reduce_min3A = arith.constant dense<0x7F800000> : vector<256xf32>
    %reduce_min3A_24 = vector.multi_reduction <minimumf>, %sub3A, %reduce_min3A [1] : vector<256x2048xf32> to vector<256xf32>
    %iota3A = tpu.iota {dimensions = array<i32: 1>} : vector<256x2048xi32>
    %add3A_25 = arith.constant 0 : i32
    %add3A_26 = vector.broadcast %add3A_25 : i32 to vector<256x2048xi32>
    %add3A_27 = arith.addi %iota3A, %add3A_26 : vector<256x2048xi32>
    %broadcast_in_dim3A_28 = vector.shape_cast %reduce_min3A_24 : vector<256xf32> to vector<256x1xf32>
    %eq3A_29 = vector.broadcast %broadcast_in_dim3A_28 : vector<256x1xf32> to vector<256x2048xf32>
    %eq3A_30 = arith.cmpf oeq, %sub3A, %eq3A_29 : vector<256x2048xf32>
    %jit3A = arith.constant 8192 : i32
    %broadcast_in_dim3A_31 = vector.broadcast %jit3A : i32 to vector<256x2048xi32>
    %select_n3A = arith.select %eq3A_30, %add3A_27, %broadcast_in_dim3A_31 : vector<256x2048xi1>, vector<256x2048xi32>
    %reduce_min3A_32 = arith.constant dense<2147483647> : vector<256xi32>
    %reduce_min3A_33 = vector.multi_reduction <minsi>, %select_n3A, %reduce_min3A_32 [1] : vector<256x2048xi32> to vector<256xi32>
    %lt3A = arith.cmpf olt, %reduce_min3A_24, %broadcast_in_dim3A_10 : vector<256xf32>
    %select_n3A_34 = arith.select %lt3A, %reduce_min3A_33, %broadcast_in_dim3A_12 : vector<256xi1>, vector<256xi32>
    %min3A = arith.minimumf %broadcast_in_dim3A_10, %reduce_min3A_24 : vector<256xf32>
    %get3A_35 = arith.constant 2048 : index
    %get3A_36 = arith.constant 0 : index
    %get3A_37 = vector.load %arg3[%get3A_35, %get3A_36] : memref<8192x32xf32, #tpu.memory_space<vmem>>, vector<2048x32xf32>
    %dot_general3A_38 = arith.constant dense<0.000000e+00> : vector<256x2048xf32>
    %dot_general3A_39 = tpu.matmul %get3A_3, %get3A_37, %dot_general3A_38 {dimension_numbers = #tpu.dot_dimension_numbers<[1], [1], [0], [0], [0, 0, 1, 0], [], []>, transpose_lhs_hint = false} : vector<256x32xf32>, vector<2048x32xf32>, vector<256x2048xf32> -> vector<256x2048xf32>
    %get3A_40 = arith.constant 0 : index
    %get3A_41 = arith.constant 2048 : index
    %get3A_42 = vector.load %arg4[%get3A_40, %get3A_41] : memref<1x8192xf32, #tpu.memory_space<vmem>>, vector<1x2048xf32>
    %add3A_43 = vector.broadcast %broadcast_in_dim3A : vector<256x1xf32> to vector<256x2048xf32>
    %add3A_44 = vector.broadcast %get3A_42 : vector<1x2048xf32> to vector<256x2048xf32>
    %add3A_45 = arith.addf %add3A_43, %add3A_44 : vector<256x2048xf32>
    %mul3A_46 = arith.constant 2.000000e+00 : f32
    %mul3A_47 = vector.broadcast %mul3A_46 : f32 to vector<256x2048xf32>
    %mul3A_48 = arith.mulf %mul3A_47, %dot_general3A_39 : vector<256x2048xf32>
    %sub3A_49 = arith.subf %add3A_45, %mul3A_48 : vector<256x2048xf32>
    %reduce_min3A_50 = arith.constant dense<0x7F800000> : vector<256xf32>
    %reduce_min3A_51 = vector.multi_reduction <minimumf>, %sub3A_49, %reduce_min3A_50 [1] : vector<256x2048xf32> to vector<256xf32>
    %iota3A_52 = tpu.iota {dimensions = array<i32: 1>} : vector<256x2048xi32>
    %add3A_53 = arith.constant 2048 : i32
    %add3A_54 = vector.broadcast %add3A_53 : i32 to vector<256x2048xi32>
    %add3A_55 = arith.addi %iota3A_52, %add3A_54 : vector<256x2048xi32>
    %broadcast_in_dim3A_56 = vector.shape_cast %reduce_min3A_51 : vector<256xf32> to vector<256x1xf32>
    %eq3A_57 = vector.broadcast %broadcast_in_dim3A_56 : vector<256x1xf32> to vector<256x2048xf32>
    %eq3A_58 = arith.cmpf oeq, %sub3A_49, %eq3A_57 : vector<256x2048xf32>
    %jit3A_59 = arith.constant 8192 : i32
    %broadcast_in_dim3A_60 = vector.broadcast %jit3A_59 : i32 to vector<256x2048xi32>
    %select_n3A_61 = arith.select %eq3A_58, %add3A_55, %broadcast_in_dim3A_60 : vector<256x2048xi1>, vector<256x2048xi32>
    %reduce_min3A_62 = arith.constant dense<2147483647> : vector<256xi32>
    %reduce_min3A_63 = vector.multi_reduction <minsi>, %select_n3A_61, %reduce_min3A_62 [1] : vector<256x2048xi32> to vector<256xi32>
    %lt3A_64 = arith.cmpf olt, %reduce_min3A_51, %min3A : vector<256xf32>
    %select_n3A_65 = arith.select %lt3A_64, %reduce_min3A_63, %select_n3A_34 : vector<256xi1>, vector<256xi32>
    %min3A_66 = arith.minimumf %min3A, %reduce_min3A_51 : vector<256xf32>
    %get3A_67 = arith.constant 4096 : index
    %get3A_68 = arith.constant 0 : index
    %get3A_69 = vector.load %arg3[%get3A_67, %get3A_68] : memref<8192x32xf32, #tpu.memory_space<vmem>>, vector<2048x32xf32>
    %dot_general3A_70 = arith.constant dense<0.000000e+00> : vector<256x2048xf32>
    %dot_general3A_71 = tpu.matmul %get3A_3, %get3A_69, %dot_general3A_70 {dimension_numbers = #tpu.dot_dimension_numbers<[1], [1], [0], [0], [0, 0, 1, 0], [], []>, transpose_lhs_hint = false} : vector<256x32xf32>, vector<2048x32xf32>, vector<256x2048xf32> -> vector<256x2048xf32>
    %get3A_72 = arith.constant 0 : index
    %get3A_73 = arith.constant 4096 : index
    %get3A_74 = vector.load %arg4[%get3A_72, %get3A_73] : memref<1x8192xf32, #tpu.memory_space<vmem>>, vector<1x2048xf32>
    %add3A_75 = vector.broadcast %broadcast_in_dim3A : vector<256x1xf32> to vector<256x2048xf32>
    %add3A_76 = vector.broadcast %get3A_74 : vector<1x2048xf32> to vector<256x2048xf32>
    %add3A_77 = arith.addf %add3A_75, %add3A_76 : vector<256x2048xf32>
    %mul3A_78 = arith.constant 2.000000e+00 : f32
    %mul3A_79 = vector.broadcast %mul3A_78 : f32 to vector<256x2048xf32>
    %mul3A_80 = arith.mulf %mul3A_79, %dot_general3A_71 : vector<256x2048xf32>
    %sub3A_81 = arith.subf %add3A_77, %mul3A_80 : vector<256x2048xf32>
    %reduce_min3A_82 = arith.constant dense<0x7F800000> : vector<256xf32>
    %reduce_min3A_83 = vector.multi_reduction <minimumf>, %sub3A_81, %reduce_min3A_82 [1] : vector<256x2048xf32> to vector<256xf32>
    %iota3A_84 = tpu.iota {dimensions = array<i32: 1>} : vector<256x2048xi32>
    %add3A_85 = arith.constant 4096 : i32
    %add3A_86 = vector.broadcast %add3A_85 : i32 to vector<256x2048xi32>
    %add3A_87 = arith.addi %iota3A_84, %add3A_86 : vector<256x2048xi32>
    %broadcast_in_dim3A_88 = vector.shape_cast %reduce_min3A_83 : vector<256xf32> to vector<256x1xf32>
    %eq3A_89 = vector.broadcast %broadcast_in_dim3A_88 : vector<256x1xf32> to vector<256x2048xf32>
    %eq3A_90 = arith.cmpf oeq, %sub3A_81, %eq3A_89 : vector<256x2048xf32>
    %jit3A_91 = arith.constant 8192 : i32
    %broadcast_in_dim3A_92 = vector.broadcast %jit3A_91 : i32 to vector<256x2048xi32>
    %select_n3A_93 = arith.select %eq3A_90, %add3A_87, %broadcast_in_dim3A_92 : vector<256x2048xi1>, vector<256x2048xi32>
    %reduce_min3A_94 = arith.constant dense<2147483647> : vector<256xi32>
    %reduce_min3A_95 = vector.multi_reduction <minsi>, %select_n3A_93, %reduce_min3A_94 [1] : vector<256x2048xi32> to vector<256xi32>
    %lt3A_96 = arith.cmpf olt, %reduce_min3A_83, %min3A_66 : vector<256xf32>
    %select_n3A_97 = arith.select %lt3A_96, %reduce_min3A_95, %select_n3A_65 : vector<256xi1>, vector<256xi32>
    %min3A_98 = arith.minimumf %min3A_66, %reduce_min3A_83 : vector<256xf32>
    %get3A_99 = arith.constant 6144 : index
    %get3A_100 = arith.constant 0 : index
    %get3A_101 = vector.load %arg3[%get3A_99, %get3A_100] : memref<8192x32xf32, #tpu.memory_space<vmem>>, vector<2048x32xf32>
    %dot_general3A_102 = arith.constant dense<0.000000e+00> : vector<256x2048xf32>
    %dot_general3A_103 = tpu.matmul %get3A_3, %get3A_101, %dot_general3A_102 {dimension_numbers = #tpu.dot_dimension_numbers<[1], [1], [0], [0], [0, 0, 1, 0], [], []>, transpose_lhs_hint = false} : vector<256x32xf32>, vector<2048x32xf32>, vector<256x2048xf32> -> vector<256x2048xf32>
    %get3A_104 = arith.constant 0 : index
    %get3A_105 = arith.constant 6144 : index
    %get3A_106 = vector.load %arg4[%get3A_104, %get3A_105] : memref<1x8192xf32, #tpu.memory_space<vmem>>, vector<1x2048xf32>
    %add3A_107 = vector.broadcast %broadcast_in_dim3A : vector<256x1xf32> to vector<256x2048xf32>
    %add3A_108 = vector.broadcast %get3A_106 : vector<1x2048xf32> to vector<256x2048xf32>
    %add3A_109 = arith.addf %add3A_107, %add3A_108 : vector<256x2048xf32>
    %mul3A_110 = arith.constant 2.000000e+00 : f32
    %mul3A_111 = vector.broadcast %mul3A_110 : f32 to vector<256x2048xf32>
    %mul3A_112 = arith.mulf %mul3A_111, %dot_general3A_103 : vector<256x2048xf32>
    %sub3A_113 = arith.subf %add3A_109, %mul3A_112 : vector<256x2048xf32>
    %reduce_min3A_114 = arith.constant dense<0x7F800000> : vector<256xf32>
    %reduce_min3A_115 = vector.multi_reduction <minimumf>, %sub3A_113, %reduce_min3A_114 [1] : vector<256x2048xf32> to vector<256xf32>
    %iota3A_116 = tpu.iota {dimensions = array<i32: 1>} : vector<256x2048xi32>
    %add3A_117 = arith.constant 6144 : i32
    %add3A_118 = vector.broadcast %add3A_117 : i32 to vector<256x2048xi32>
    %add3A_119 = arith.addi %iota3A_116, %add3A_118 : vector<256x2048xi32>
    %broadcast_in_dim3A_120 = vector.shape_cast %reduce_min3A_115 : vector<256xf32> to vector<256x1xf32>
    %eq3A_121 = vector.broadcast %broadcast_in_dim3A_120 : vector<256x1xf32> to vector<256x2048xf32>
    %eq3A_122 = arith.cmpf oeq, %sub3A_113, %eq3A_121 : vector<256x2048xf32>
    %jit3A_123 = arith.constant 8192 : i32
    %broadcast_in_dim3A_124 = vector.broadcast %jit3A_123 : i32 to vector<256x2048xi32>
    %select_n3A_125 = arith.select %eq3A_122, %add3A_119, %broadcast_in_dim3A_124 : vector<256x2048xi1>, vector<256x2048xi32>
    %reduce_min3A_126 = arith.constant dense<2147483647> : vector<256xi32>
    %reduce_min3A_127 = vector.multi_reduction <minsi>, %select_n3A_125, %reduce_min3A_126 [1] : vector<256x2048xi32> to vector<256xi32>
    %lt3A_128 = arith.cmpf olt, %reduce_min3A_115, %min3A_98 : vector<256xf32>
    %select_n3A_129 = arith.select %lt3A_128, %reduce_min3A_127, %select_n3A_97 : vector<256xi1>, vector<256xi32>
    %min3A_130 = arith.minimumf %min3A_98, %reduce_min3A_115 : vector<256xf32>
    %swap3A = arith.constant 0 : index
    %swap3A_131 = arith.constant 0 : index
    %swap3A_132 = arith.constant 0 : index
    %swap3A_133 = vector.load %arg5[%swap3A, %swap3A_131, %swap3A_132] : memref<1x1x256xi32, #tpu.memory_space<vmem>>, vector<1x1x256xi32>
    %swap3A_134 = vector.shape_cast %swap3A_133 : vector<1x1x256xi32> to vector<256xi32>
    %swap3A_135 = vector.shape_cast %select_n3A_129 : vector<256xi32> to vector<1x1x256xi32>
    tpu.vector_store %arg5[%swap3A, %swap3A_131, %swap3A_132], %swap3A_135 {strides = array<i32>} : memref<1x1x256xi32, #tpu.memory_space<vmem>>, vector<1x1x256xi32>,
    %get3A_136 = arith.constant 0 : index
    %get3A_137 = arith.constant 0 : index
    %get3A_138 = memref.load %arg6[%get3A_136, %get3A_137] : memref<1x1xf32, #tpu.memory_space<smem>>
    %max3A = arith.constant 0.000000e+00 : f32
    %max3A_139 = vector.broadcast %max3A : f32 to vector<256xf32>
    %max3A_140 = arith.maximumf %min3A_130, %max3A_139 : vector<256xf32>
    %reduce_sum3A = vector.shape_cast %max3A_140 : vector<256xf32> to vector<1x256xf32>
    %reduce_sum3A_141 = arith.constant dense<0.000000e+00> : vector<1xf32>
    %reduce_sum3A_142 = vector.multi_reduction <add>, %reduce_sum3A, %reduce_sum3A_141 [1] : vector<1x256xf32> to vector<1xf32>
    %reduce_sum3A_143 = vector.shape_cast %reduce_sum3A_142 : vector<1xf32> to vector<1x1xf32>
    %reduce_sum3A_144 = vector.extract %reduce_sum3A_143[0, 0] : f32 from vector<1x1xf32>
    %add3A_145 = arith.addf %get3A_138, %reduce_sum3A_144 : f32
    %swap3A_146 = arith.constant 0 : index
    %swap3A_147 = arith.constant 0 : index
    %swap3A_148 = memref.load %arg6[%swap3A_146, %swap3A_147] : memref<1x1xf32, #tpu.memory_space<smem>>
    memref.store %add3A_145, %arg6[%swap3A_146, %swap3A_147] : memref<1x1xf32, #tpu.memory_space<smem>>
    return
  }
  func.func @transform_0(%arg0: i32) -> (i32, i32) {
    %c0_i32 = arith.constant 0 : i32
    %c0_i32_0 = arith.constant 0 : i32
    return %arg0, %c0_i32 : i32, i32
  }
  func.func @transform_1(%arg0: i32) -> (i32, i32, i32) {
    %c0_i32 = arith.constant 0 : i32
    %c0_i32_0 = arith.constant 0 : i32
    %c0_i32_1 = arith.constant 0 : i32
    return %arg0, %c0_i32, %c0_i32_0 : i32, i32, i32
  }
  func.func @transform_2(%arg0: i32) -> (i32, i32) {
    %c0_i32 = arith.constant 0 : i32
    %c0_i32_0 = arith.constant 0 : i32
    %c0_i32_1 = arith.constant 0 : i32
    return %c0_i32, %c0_i32_0 : i32, i32
  }
  func.func @transform_3(%arg0: i32) -> (i32, i32) {
    %c0_i32 = arith.constant 0 : i32
    %c0_i32_0 = arith.constant 0 : i32
    %c0_i32_1 = arith.constant 0 : i32
    return %c0_i32, %c0_i32_0 : i32, i32
  }
  func.func @transform_4(%arg0: i32) -> (i32, i32, i32) {
    %c0_i32 = arith.constant 0 : i32
    %c0_i32_0 = arith.constant 0 : i32
    %c0_i32_1 = arith.constant 0 : i32
    return %arg0, %c0_i32, %c0_i32_0 : i32, i32, i32
  }
  func.func @transform_5(%arg0: i32) -> (i32, i32) {
    %c0_i32 = arith.constant 0 : i32
    %c0_i32_0 = arith.constant 0 : i32
    %c0_i32_1 = arith.constant 0 : i32
    return %c0_i32, %c0_i32_0 : i32, i32
  }
}

</mosaic_0001>

<sc_bundles>
// kernel: kernel.4.cloned.1.call-start
scs
__scs_entry_jumppad:
0x0: {  	(pc) =	sbr.rel $0x88, $3  }
0x1: {  	(tag) =	ssettag $0x0;
	lr =	simm.s32 $0x1  }
0x2: {  	[smem:$0x3F87] =	sst lr;
	_ =	strace $0xD0000000  }
0x3: {  	_ = 	snop  }
0x4: {  	_ = 	snop  }
0x5: {  	_ = 	snop  }
0x6: {  	_ = 	snop  }
0x7: {  	_ = 	snop  }
__scs_overlays_trampoline_lowered:
0x8: {  	[smem:$0x3F96] =	sst s0  }
0x9: {  	[smem:$0x3F97] =	sst s1  }
0xa: {  	[smem:$0x3F98] =	sst s2  }
0xb: {  	[smem:$0x3F99] =	sst s3  }
0xc: {  	[smem:$0x3F9A] =	sst s4  }
0xd: {  	[smem:$0x3F9B] =	sst s5  }
0xe: {  	[smem:$0x3F9C] =	sst s6  }
0xf: {  	[smem:$0x3F9D] =	sst s7  }
0x10: {  	[smem:$0x3F9E] =	sst s8  }
0x11: {  	[smem:$0x3F9F] =	sst s9;
	s0 =	simm.s32 @!p0 $0x0  }
0x12: {  	s1 =	sld [smem:$0x3F85];
	s0 =	simm.s32 @p0 $0x1  }
0x13: {  	[smem:$0x3FA0] =	sst s0;
	s0 =	simm.s32 @!p1 $0x0  }
0x14: {  	s2 =	sld [smem:$0x3F84];
	s0 =	simm.s32 @p1 $0x1  }
0x15: {  	[smem:$0x3FA1] =	sst s0;
	s0 =	simm.s32 @!p2 $0x0  }
0x16: {  	s3 =	sld [smem:$0x3FDB];
	s0 =	simm.s32 @p2 $0x1  }
0x17: {  	s4 =	simm.s32 $0x1BF5;
	[smem:$0x3FA3] =	sst s0  }
0x18: {  	s0 =	sld [smem:$0x3F86];
	_ =	swait.ge [sflag:s4], $0x0  }
0x19: {  	s7 =	sld [smem:$0x3F87]  }
0x1a: {  	s8 =	sadd.s32 $0xFFFFE003, lr  }
0x1b: {  	s9 =	sadd.s32 $0xFFFFFEF7, lr;
	s5 =	simm.s32 $0xFFFFFFFF;
	p2 =	slt.u32 s8, $0xFFFFF086  }
0x1c: {  	p1 =	slt.u32 s9, $0xF7A;
	s5 =	simm.s32 @!p2 $0x0  }
0x1d: {  	s5 =	simm.s32 @p1 $0x1;
	p0 =	seq.s32 s7, s2  }
0x1e: {  	s7 =	smul.u32 @!p0 $0xF7A, s2;
	p2 =	seq.s32 @!p0 s5, $0x0  }
0x1f: {  	s9 =	smul.u32 $0xF7A, s1;
	s8 =	simm.s32 @!p0 $0x1BF5;
	p2 =	por !p2, p0  }
0x20: {  	[sflag:s8] =	ssyncset.s32 @!p0 $0xFFFFF086;
	s6 =	sadd.s32 @!p0 s3, s7;
	s7 =	simm.s32 @!p0 $0x108  }
0x21: {  	s3 =	sadd.s32 s3, s9;
	s6 =	sadd.s32 @!p0 $0x88, s6;
	s7 =	simm.s32 @p2 $0x1082  }
0x22: {  	[simem:s7], [sflag:s8] =	dma.local @!p0 [hbm:s6], $0xF7A  }
0x23: {  	s9 =	sor.u32 $0xD0000000, s2;
	s6 =	simm.s32 $0x108;
	_ =	swait.ge @!p0 [sflag:s8], $0x0  }
0x24: {  	s3 =	sadd.s32 $0x88, s3;
	s6 =	simm.s32 @!p1 $0x1082;
	[sflag:s4] =	ssyncset.s32 $0xFFFFF086  }
0x25: {  	[simem:s6], [sflag:s4] =	dma.local [hbm:s3], $0xF7A  }
0x26: {  	[smem:$0x3F87] =	sst s1;
	(tag) =	ssettag s2;
	_ =	strace s9  }
0x27: {  	s1 =	sld [smem:$0x3F97]  }
0x28: {  	s2 =	sld [smem:$0x3F98]  }
0x29: {  	s4 =	sld [smem:$0x3F9A]  }
0x2a: {  	p0 =	seq.s32 s5, $0x0;
	s5 =	sld [smem:$0x3F9B]  }
0x2b: {  	s6 =	sld [smem:$0x3F9C]  }
0x2c: {  	s7 =	sld [smem:$0x3F9D]  }
0x2d: {  	s3 =	simm.s32 $0x108;
	s8 =	sld [smem:$0x3F9E]  }
0x2e: {  	s3 =	simm.s32 @!p0 $0x1082;
	s9 =	sld [smem:$0x3F9F]  }
0x2f: {  	lr =	sadd.s32 s0, s3;
	s0 =	sld [smem:$0x3F96]  }
0x30: {  	s3 =	sld [smem:$0x3F99]  }
0x31: {  	[smem:$0x3FA2] =	sst s10  }
0x32: {  	s10 =	sld [smem:$0x3FA0];
	_ =	sdelay $0x3  }
0x33: {  	p0 =	seq.s32 s10, $0x1;
	s10 =	sld [smem:$0x3FA2];
	_ =	sdelay $0x3  }
0x34: {  	[smem:$0x3FA2] =	sst s10  }
0x35: {  	s10 =	sld [smem:$0x3FA1];
	_ =	sdelay $0x3  }
0x36: {  	p1 =	seq.s32 s10, $0x1;
	s10 =	sld [smem:$0x3FA2];
	_ =	sdelay $0x3  }
0x37: {  	[smem:$0x3FA2] =	sst s10  }
0x38: {  	s10 =	sld [smem:$0x3FA3]  }
0x39: {  	_ = 	snop;
	(pc) =	sbr.ind lr, $3  }
0x3a: {  	_ = 	snop  }
0x3b: {  	_ = 	snop  }
0x3c: {  	p2 =	seq.s32 s10, $0x1;
	s10 =	sld [smem:$0x3FA2]  }
0x3d: {  	_ =	shalt  }
0x3e: {  	_ =	shalt  }
0x3f: {  	_ =	shalt  }
0x40: {  	_ =	shalt  }
0x41: {  	_ =	shalt  }
0x42: {  	_ =	shalt  }
0x43: {  	_ =	shalt  }
0x44: {  	_ =	shalt  }
0x45: {  	_ =	shalt  }
0x46: {  	_ =	shalt  }
0x47: {  	_ =	shalt  }
0x48: {  	_ =	shalt  }
0x49: {  	_ =	shalt  }
0x4a: {  	_ =	shalt  }
0x4b: {  	_ =	shalt  }
0x4c: {  	_ =	shalt  }
0x4d: {  	_ =	shalt  }
0x4e: {  	_ =	shalt  }
0x4f: {  	_ =	shalt  }
0x50: {  	_ =	shalt  }
0x51: {  	_ =	shalt  }
0x52: {  	_ =	shalt  }
0x53: {  	_ =	shalt  }
0x54: {  	_ =	shalt  }
0x55: {  	_ =	shalt  }
0x56: {  	_ =	shalt  }
0x57: {  	_ =	shalt  }
0x58: {  	_ =	shalt  }
0x59: {  	_ =	shalt  }
0x5a: {  	_ =	shalt  }
0x5b: {  	_ =	shalt  }
0x5c: {  	_ =	shalt  }
0x5d: {  	_ =	shalt  }
0x5e: {  	_ =	shalt  }
0x5f: {  	_ =	shalt  }
0x60: {  	_ =	shalt  }
0x61: {  	_ =	shalt  }
0x62: {  	_ =	shalt  }
0x63: {  	_ =	shalt  }
0x64: {  	_ =	shalt  }
0x65: {  	_ =	shalt  }
0x66: {  	_ =	shalt  }
0x67: {  	_ =	shalt  }
0x68: {  	_ =	shalt  }
0x69: {  	_ =	shalt  }
0x6a: {  	_ =	shalt  }
0x6b: {  	_ =	shalt  }
0x6c: {  	_ =	shalt  }
0x6d: {  	_ =	shalt  }
0x6e: {  	_ =	shalt  }
0x6f: {  	_ =	shalt  }
0x70: {  	_ =	shalt  }
0x71: {  	_ =	shalt  }
0x72: {  	_ =	shalt  }
0x73: {  	_ =	shalt  }
0x74: {  	_ =	shalt  }
0x75: {  	_ =	shalt  }
0x76: {  	_ =	shalt  }
0x77: {  	_ =	shalt  }
0x78: {  	_ =	shalt  }
0x79: {  	_ =	shalt  }
0x7a: {  	_ =	shalt  }
0x7b: {  	_ =	shalt  }
0x7c: {  	_ =	shalt  }
0x7d: {  	_ =	shalt  }
0x7e: {  	_ =	shalt  }
0x7f: {  	_ =	shalt  }
0x80: {  	_ =	shalt  }
0x81: {  	_ =	shalt  }
0x82: {  	_ =	shalt  }
0x83: {  	_ =	shalt  }
0x84: {  	_ =	shalt  }
0x85: {  	_ =	shalt  }
0x86: {  	_ =	shalt  }
0x87: {  	_ =	shalt  }
.Lfunc_end0:
.L_simem_size_0:
called_computation_lowered:
.L_overlay_start_0:
0x88: {  	s2 =	sld [smem:$0x3FD9]  }
0x89: {  	s3 =	sld [smem:$0x3FFE];
	_ =	sdelay $0x1  }
0x8a: {  	s1 =	srdreg.scid  }
0x8b: {  	s0 =	sand.u32 $0x1, s1  }
0x8c: {  	s14 =	sshll.u32 s0, $0xA;
	s2 =	sadd.s32 s3, s2  }
0x8d: {  	s2 =	sadd.s32 s2, s14  }
0x8e: {  	[smem:$0x3FAE] =	sst s2  }
0x8f: {  	_ = 	snop  }
0x90: {  	s2 =	sld [smem:$0x3FD0];
	_ =	sdelay $0x2  }
0x91: {  	s15 =	simm.s32 $0xA;
	s4 =	simm.s32 $0x10  }
0x92: {  	[smem:s4], [sflag:s15] =	dma.local [hbm:s2], $0x1  }
0x93: {  	_ =	swait.eq [sflag:s15], $0x1  }
0x94: {  	[sflag:s15] =	ssyncset.done $0x0  }
0x95: {  	[sflag:s15] =	ssyncadd.s32 $0xFFFFFFFF  }
0x96: {  	s16 =	sld [smem:$0x10];
	(tm) =	ssettm $0x1  }
0x97: {  	s17 =	sld [smem:$0x3FFB];
	_ =	sdelay $0x3  }
0x98: {  	_ =	strace s17  }
0x99: {  	s3 =	sld [smem:$0x3FFC];
	_ =	sdelay $0x3  }
0x9a: {  	_ =	strace s3  }
0x9b: {  	s3 =	sld [smem:$0x3FFD];
	_ =	sdelay $0x3  }
0x9c: {  	_ =	strace s3  }
0x9d: {  	_ =	strace $0x8FFFFFFF  }
0x9e: {  	s18 =	sld [smem:$0x3FDB];
	_ =	sdelay $0x1  }
0x9f: {  	s19 =	simm.s32 $_scs_section_size  }
0xa0: {  	s5 =	simm.s32 $_size__tile_overlayer_lowered;
	s6 =	simm.s32 $_tile_overlayer_lowered  }
0xa1: {  	s22 =	simm.s32 $0x1BFF;
	s21 =	sshll.u32 s6, $0x1;
	s3 =	sadd.s32 s19, s18  }
0xa2: {  	s7 =	simm.s32 $0x0;
	s20 =	sshll.u32 s5, $0x1;
	s5 =	sadd.s32 s21, s3  }
0xa3: {  	[timem:s7], [sflag:s22] =	dma.local [hbm:s5], s20  }
0xa4: {  	_ =	swait.ge [sflag:s22], s20  }
0xa5: {  	s4 =	ssub.s32 $0x0, s20;
	[sflag:s22] =	ssyncset.done $0x0  }
0xa6: {  	[sflag:s22] =	ssyncadd.s32 s4;
	_ =	sdelay $0x1  }
0xa7: {  	s23 =	simm.s32 $0x1B8B  }
0xa8: {  	_ =	swait.ge [sflag:s23], $0x1  }
0xa9: {  	[sflag:s23] =	ssyncset.done $0x0  }
0xaa: {  	s25 =	simm.s32 $0x1B8E;
	s24 =	sld [smem:$0x3FFE];
	[sflag:s23] =	ssyncadd.s32 $0xFFFFFFFF  }
0xab: {  	s26 =	simm.s32 $execute0_lowered;
	[smem:$0x3FD2] =	sst s25  }
0xac: {  	s5 =	sshll.u32 s26, $0x1;
	_ =	strace $0x80000046;
	[dreg:$0x1] =	wrdreg $0xFFFFFFFF  }
0xad: {  	s28 =	simm.s32 $_size_execute0_lowered;
	s3 =	sadd.s32 s3, s5;
	[dreg:$0x0] =	wrdreg $0x0  }
0xae: {  	s5 =	sshll.u32 s28, $0x1;
	[dreg:$0x2] =	wrdreg s3  }
0xaf: {  	[dreg:$0x3] =	wrdreg s5  }
0xb0: {  	[dreg:$0x4] =	wrdreg $0xC0  }
0xb1: {  	_ =	task [dreg:s7], $0x5FFFF  }
0xb2: {  	[dreg:$0x1] =	wrdreg $0xFFFFFFFF  }
0xb3: {  	[dreg:$0x0] =	wrdreg $0x60  }
0xb4: {  	[dreg:$0x2] =	wrdreg s16  }
0xb5: {  	[dreg:$0x3] =	wrdreg s24  }
0xb6: {  	[dreg:$0x4] =	wrdreg $0x9  }
0xb7: {  	_ =	task.clear_ibuf [dreg:s7], $0x5FFFF;
	_ =	strace $0x90000046  }
0xb8: {  	s29 =	simm.s32 $0x9;
	_ =	strace $0x80000048  }
0xb9: {  	_ =	swait.ge [sflag:s29], $0x1  }
0xba: {  	[sflag:s29] =	ssyncadd.s32 $0xFFFFFFFF  }
0xbb: {  	_ =	strace $0x90000048  }
0xbc: {  	_ =	sfence  }
0xbd: {  	s30 =	sld [smem:$0x0];
	_ =	sdelay $0x2  }
0xbe: {  	s31 =	sshll.u32 s1, $0xD;
	s1 =	sshrl.u32 s1, $0x2  }
0xbf: {  	s3 =	sand.u32 $0x4000, s31;
	s1 =	sadd.s32 s1, s30  }
0xc0: {  	s0 =	sor.u32 s3, s0;
	s1 =	sshll.u32 s1, $0x11  }
0xc1: {  	s0 =	sor.u32 s1, s0  }
0xc2: {  	s0 =	sadd.s32 $0x8F2B, s0  }
0xc3: {  	[sflag:s0] =	ssyncadd.remote.s32 $0x1  }
0xc4: {  	_ =	sfence.sel $0xFFFF  }
0xc5: {  	[dreg:$0x0] =	wrdreg $0xFFFFFFFF;
	(pc) =	sbr.abs _section_cstart, $3  }
0xc6: {  	[dreg:$0x1] =	wrdreg $0xFFFFFFFF  }
0xc7: {  	_ =	task.clear_ibuf [dreg:s7], $0x2FFFF;
	_ =	strace $0x9FFFFFFF  }
0xc8: {  	(tm) =	ssettm $0x7FFFFFFF  }
0xc9: {  	_ =	shalt  }
tec
execute0_lowered:
.L_overlay_start_1:
0x0: {  	(tag) =	ssettag $0x1  }
0x1: {  	s1 =	srdreg.scid;
	s2 =	rddreg [dreg:$0x0]  }
0x2: {  	s0 =	stileid.u32;
	s8 =	rddreg [dreg:$0x1];
	s6 =	sand.u32 $0x1, s1  }
0x3: {  	s3 =	simm.s32 $0x0;
	s4 =	sshll.u32 s0, $0x8;
	s5 =	sshll.u32 s6, $0x7  }
0x4: {  	s7 =	simm.s32 $0x1;
	[smem:$0x7FF] =	sst s3;
	s9 =	sor.u32 s5, s4  }
0x5: {  	s1 =	rddreg [dreg:$0x2];
	_ =	strace $0x80000047;
	s4 =	sshrl.u32 s9, $0x3  }
0x6: {  	s10 =	ssub.s32 $0x2, s6;
	s5 =	sadd.s32 s8, s4;
	s4 =	simm.s32 $0x2  }
0x7: {  	[tilespmem:s3], [sflag:$0x2] =	stream.linear.gather [hbm4b:s5+s3], $0x80, $0x38;
	[tilespmem:$0x1080] =	vst v63  }
0x8: {  	s6 =	simm.s32 $0x80;
	s11 =	sshrl.u32 s10, $0x1;
	_ =	swait.ge [sflag:s4], $0x80  }
0x9: {  	s9 =	sshll.u32 s9, $0x2;
	s31 =	ssub.s32 s10, s11;
	[sflag:s4] =	ssyncset.done $0x0  }
0xa: {  	s8 =	sadd.s32 s9, s8;
	s9 =	smax.u32 s31, $0x1;
	[sflag:s4] =	ssyncadd.s32 $0xFFFFFF80  }
0xb: {  	[tilespmem:s6], [sflag:$0x1] =	stream.indirect.gather [hbm4b:s2+s6], $0x20, s3, s6, $0xb8;
	[tilespmem:$0x1080] =	vst v63  }
0xc: {  	p0 =	sne.s32 s9, $0x1;
	_ =	swait.ge [sflag:s7], $0x1000  }
.Ltmp0:
0xd: {  	[sflag:s7] =	ssyncset.done $0x0;
	(pc) =	sbr.rel @!p0 .LBB2_2-.Ltmp0, $4  }
0xe: {  	s8 =	sadd.s32 $0x200, s8;
	[sflag:s7] =	ssyncadd.s32 $0xFFFFF000  }
0xf: {  	[hbm4b:s8+s3] =	stream.linear.scatter [tilespmem:s6], [sflag:$0x2], $0x1000, $0x38;
	[tilespmem:$0x1080] =	vst v63  }
0x10: {  	_ =	swait.ge [sflag:s4], $0x1000  }
0x11: {  	s9 =	sadd.s32 $0xFFFFFFFF, s9;
	[sflag:s4] =	ssyncset.done $0x0  }
.LBB2_1:
0x12: {  	p0 =	sne.s32 s9, $0x1;
	s9 =	sadd.s32 $0xFFFFFFFF, s9;
	[sflag:s4] =	ssyncadd.s32 $0xFFFFF000  }
0x13: {  	[tilespmem:s3], [sflag:$0x2] =	stream.linear.gather [hbm4b:s5+s3], $0x80, $0x38;
	[tilespmem:$0x1080] =	vst v63  }
0x14: {  	_ =	swait.ge [sflag:s4], $0x80  }
0x15: {  	[sflag:s4] =	ssyncset.done $0x0  }
0x16: {  	[sflag:s4] =	ssyncadd.s32 $0xFFFFFF80  }
0x17: {  	[tilespmem:s6], [sflag:$0x1] =	stream.indirect.gather [hbm4b:s2+s6], $0x20, s3, s6, $0xb8;
	[tilespmem:$0x1080] =	vst v63  }
0x18: {  	_ =	swait.ge [sflag:s7], $0x1000  }
.Ltmp1:
0x19: {  	[sflag:s7] =	ssyncset.done $0x0;
	(pc) =	sbr.rel @p0 .LBB2_1-.Ltmp1, $4  }
0x1a: {  	[sflag:s7] =	ssyncadd.s32 $0xFFFFF000  }
0x1b: {  	[hbm4b:s8+s3] =	stream.linear.scatter [tilespmem:s6], [sflag:$0x2], $0x1000, $0x38;
	[tilespmem:$0x1080] =	vst v63  }
0x1c: {  	_ =	swait.ge [sflag:s4], $0x1000  }
0x1d: {  	[sflag:s4] =	ssyncset.done $0x0  }
.LBB2_2:
0x1e: {  	[sflag:s4] =	ssyncadd.s32 $0xFFFFF000  }
0x1f: {  	_ =	sfence.sel $0x180000  }
0x20: {  	[bflag:$0x0] =	sbarrier.arrive $0xFFFF  }
0x21: {  	p0 =	sne.s32 s0, $0x0;
	_ =	strace $0x90000047  }
0x22: {  	s0 =	sadd.s32 @!p0 $0x100000, s1;
	[bflag:$0x2] =	sbarrier.arrive $0xFFFF  }
0x23: {  	[sflag:s0] =	ssyncadd.tile.s32 @!p0 $0x1;
	_ =	shalt  }
.Lfunc_end2:
_tile_overlayer_lowered:
.L_overlay_start_2:
0x24: {  	(tag) =	ssettag $0x2  }
0x25: {  	s0 =	rddreg [dreg:$0x0];
	s2 =	stileid.u32  }
0x26: {  	s1 =	rddreg [dreg:$0x1];
	p0 =	sne.s32 s2, $0x0  }
0x27: {  	s3 =	rddreg [dreg:$0x2];
	[bflag:$0x3] =	sbarrier.arrive $0xFFFF;
	s2 =	simm.s32 @!p0 $0x1C02  }
0x28: {  	[timem:s3], [sflag:s2] =	dma.local @!p0 [hbm:s0], s1  }
0x29: {  	s0 =	simm.s32 @!p0 $0x2  }
0x2a: {  	_ =	swait.ge @!p0 [sflag:s0], s1  }
0x2b: {  	s1 =	ssub.s32 @!p0 $0x0, s1;
	[sflag:s0] =	ssyncset.done @!p0 $0x0  }
0x2c: {  	[sflag:s0] =	ssyncadd.s32 @!p0 s1  }
0x2d: {  	[bflag:$0x3] =	sbarrier.arrive $0xFFFF  }
0x2e: {  	_ =	shalt  }

</sc_bundles>
